<compile_context>
chip_gen: v7x
topology: tpu7x:2x2x1
jax: 0.10.2.dev20260603
libtpu: 0.0.44.dev20260713+nightly
codegen_flags: <defaults>
</compile_context>

<pallas_src>
import functools

import jax
import jax.numpy as jnp
from jax import lax
from jax.experimental import pallas as pl
from jax.experimental.pallas import tpu as pltpu
from jax.experimental.pallas import tpu_sc as plsc

_RADIUS2 = 0.25 * 0.25
_K = 10
_NK = 32 * 16 * 16
_BQ = 256
_NQPAD = 10240

_D = 16
_NW = 32
_B_IDS = _NQPAD * _K
_B_PER_W = _B_IDS // _NW


def _bq_kernel(x_ref, gt_ref, map_ref, ids_ref):
    xb = x_ref[...]
    gt = gt_ref[...]
    x0, x1, x2 = xb[:, 0:1], xb[:, 1:2], xb[:, 2:3]
    g0, g1, g2 = gt[0:1, :], gt[1:2, :], gt[2:3, :]
    qn = (x0 * x0 + x1 * x1) + x2 * x2
    kn = (g0 * g0 + g1 * g1) + g2 * g2
    cross = lax.dot_general(
        xb, gt, (((1,), (0,)), ((), ())),
        precision=lax.Precision.DEFAULT,
        preferred_element_type=jnp.float32)
    d2 = (qn + kn) - 2.0 * cross
    s = jnp.where(d2 <= _RADIUS2, -d2, -jnp.inf)
    iota = lax.broadcasted_iota(jnp.int32, (_BQ, _NK), 1)
    maps = []
    ids = []
    for _ in range(_K):
        m = jnp.max(s, axis=1, keepdims=True)
        valid = m > -jnp.inf
        cand = jnp.where(s == m, iota, _NK)
        idx = jnp.min(cand, axis=1, keepdims=True)
        maps.append(jnp.where(valid, idx, 0))
        ids.append(jnp.where(valid, idx, _NK))
        s = jnp.where(iota == idx, -jnp.inf, s)
    map_ref[...] = jnp.concatenate(maps, axis=1)
    ids_ref[...] = jnp.concatenate(ids, axis=1)


def _run_tc(xp, gt, interpret=False):
    nq = xp.shape[0]
    nblk = nq // _BQ
    return pl.pallas_call(
        _bq_kernel,
        grid=(nblk,),
        in_specs=[pl.BlockSpec((_BQ, 3), lambda i: (i, 0)),
                  pl.BlockSpec((3, _NK), lambda i: (0, 0))],
        out_specs=[pl.BlockSpec((_BQ, _K), lambda i: (i, 0)),
                   pl.BlockSpec((_BQ, _K), lambda i: (i, 0))],
        out_shape=[jax.ShapeDtypeStruct((nq, _K), jnp.int32),
                   jax.ShapeDtypeStruct((nq, _K), jnp.int32)],
        interpret=interpret,
    )(xp, gt)


@functools.cache
def _sc_gather_fn(n_ids):
    per_w = n_ids // _NW

    @functools.partial(
        pl.kernel,
        mesh=plsc.VectorSubcoreMesh(core_axis_name="c", subcore_axis_name="s"),
        out_type=jax.ShapeDtypeStruct((n_ids, _D), jnp.float32),
        scratch_types=[pltpu.VMEM((per_w,), jnp.int32),
                       pltpu.VMEM((per_w, _D), jnp.float32),
                       pltpu.SemaphoreType.DMA],
        compiler_params=pltpu.CompilerParams(use_tc_tiling_on_sc=False),
    )
    def _sc_gather(table_hbm, idx_hbm, out_hbm, idx_v, rows_v, sem):
        wid = lax.axis_index("s") * 2 + lax.axis_index("c")
        base = wid * per_w
        pltpu.sync_copy(idx_hbm.at[pl.ds(base, per_w)], idx_v)
        pltpu.async_copy(table_hbm.at[idx_v], rows_v, sem).wait()
        pltpu.sync_copy(rows_v, out_hbm.at[pl.ds(base, per_w)])

    return _sc_gather


def kernel(x, p_grid):
    b, nq, _ = x.shape
    grid_flat = jnp.reshape(p_grid, (-1, 3))
    gt = grid_flat.T
    xq = jnp.reshape(x, (nq, 3))
    xp = jnp.concatenate(
        [xq, jnp.full((_NQPAD - nq, 3), 2.0, jnp.float32)], axis=0)
    table = jnp.pad(grid_flat, ((0, 1), (0, _D - 3)))
    mp, ids = _run_tc(xp, gt)
    rows = _sc_gather_fn(_B_IDS)(table, jnp.reshape(ids, (_B_IDS,)))
    mapping = mp[:nq].astype(jnp.int64).reshape(b, nq, _K)
    outputs = jnp.reshape(rows, (_NQPAD, _K, _D))[:nq, :, :3].reshape(
        b, nq, _K, 3)
    return (mapping, outputs)

# --- scband reference (transcript-rebuilt; emitter-appended) ---
"""Pipeline reference for scband-do-mino-62732292325647 (READ-ONLY COPY).

The authoritative reference and input builder live on the scoring server;
editing this copy changes nothing except your own understanding.
"""

import jax, jax.numpy as jnp
import numpy as np

GRID_RES = (32, 16, 16)
RADIUS = 0.25
K_NEIGHBORS = 10


def setup_inputs(seed: int = 0) -> dict:
    key = jax.random.key(seed)
    k1, k2 = jax.random.split(key)
    x = jax.random.uniform(k1, (1, 10000, 3), dtype=jnp.float32)
    p_grid = jax.random.uniform(k2, (1, GRID_RES[0], GRID_RES[1], GRID_RES[2], 3), dtype=jnp.float32)
    return {"x": x, "p_grid": p_grid}


def reference(x, p_grid):
    # BQWarp.forward with reverse_mapping=True:
    # for each query point in x, find up to K neighbors of p_grid within RADIUS.
    B = x.shape[0]
    nx, ny, nz = GRID_RES
    grid = jnp.reshape(p_grid, (B, nx * ny * nz, 3))
    # pairwise squared distances [B, Nq, Nk] via ||a||^2 + ||b||^2 - 2ab
    qn = jnp.sum(x * x, axis=-1)                      # [B, Nq]
    kn = jnp.sum(grid * grid, axis=-1)                # [B, Nk]
    cross = jnp.einsum('bqd,bkd->bqk', x, grid)       # [B, Nq, Nk]
    d2 = qn[:, :, None] + kn[:, None, :] - 2.0 * cross
    within = d2 <= (RADIUS * RADIUS)
    scores = jnp.where(within, -d2, -jnp.inf)
    top_scores, top_idx = jax.lax.top_k(scores, K_NEIGHBORS)  # [B, Nq, K]
    valid = top_scores > -jnp.inf
    mapping = jnp.where(valid, top_idx, 0).astype(jnp.int64)  # indices of neighbors
    # gather neighbor coordinates [B, Nq, K, 3]
    b_idx = jnp.arange(B)[:, None, None]
    outputs = grid[b_idx, mapping]
    outputs = outputs * valid[..., None].astype(outputs.dtype)
    return (mapping, outputs)

if __name__ == "__main__":
    import jax
    _d = setup_inputs()
    print(jax.jit(kernel)(*tuple(_d.values())))

</pallas_src>

<mosaic_0001>
#map = affine_map<(d0, d1) -> (0, 0)>
#map1 = affine_map<(d0, d1) -> (0)>
module attributes {stable_mosaic.version = 14 : i64} {
  func.func @_sc_gather(%arg0: i32, %arg1: i32, %arg2: memref<8193x16xf32, #tpu.memory_space<hbm>>, %arg3: memref<102400xi32, #tpu.memory_space<hbm>>, %arg4: memref<102400x16xf32, #tpu.memory_space<hbm>>, %arg5: memref<3200xi32, #tpu.memory_space<vmem>>, %arg6: memref<3200x16xf32, #tpu.memory_space<vmem>>, %arg7: memref<!tpu.dma_semaphore, #tpu.memory_space<semaphore_mem>>) attributes {dimension_semantics = [#tpu.dimension_semantics<core_parallel>, #tpu.dimension_semantics<subcore_parallel>], iteration_bounds = array<i64: 2, 16>, scalar_prefetch = 0 : i64, scratch_operands = 3 : i64, tpu.core_type = #tpu.core_type<sc_vector_subcore>, window_params = [{transform_indices = #map}, {transform_indices = #map1}, {transform_indices = #map}]} {
    %mul3A = arith.constant 2 : i32
    %mul3A_0 = arith.muli %arg1, %mul3A : i32
    %add3A = arith.addi %mul3A_0, %arg0 : i32
    %mul3A_1 = arith.constant 3200 : i32
    %mul3A_2 = arith.muli %add3A, %mul3A_1 : i32
    "tpu.region"() ({
      %run_scoped3A = tpu.sem_alloc : memref<!tpu.dma_semaphore, #tpu.memory_space<semaphore_mem>>
      %dma_start3A_7 = tpu.memref_slice %arg3[%mul3A_2] : memref<102400xi32, #tpu.memory_space<hbm>> -> memref<3200xi32, #tpu.memory_space<hbm>>
      %dma_start3A_8 = tpu.memref_slice %arg3[%mul3A_2] : memref<102400xi32, #tpu.memory_space<hbm>> -> memref<3200xi32, #tpu.memory_space<hbm>>
      tpu.enqueue_dma source(%dma_start3A_8 : memref<3200xi32, #tpu.memory_space<hbm>>) target(%arg5 : memref<3200xi32, #tpu.memory_space<vmem>>) target_semaphore(%run_scoped3A : memref<!tpu.dma_semaphore, #tpu.memory_space<semaphore_mem>>)
      %dma_wait3A_9 = tpu.memref_slice %arg3[%mul3A_2] : memref<102400xi32, #tpu.memory_space<hbm>> -> memref<3200xi32, #tpu.memory_space<hbm>>
      %dma_wait3A_10 = tpu.memref_slice %arg3[%mul3A_2] : memref<102400xi32, #tpu.memory_space<hbm>> -> memref<3200xi32, #tpu.memory_space<hbm>>
      tpu.wait_dma2 semaphore(%run_scoped3A : memref<!tpu.dma_semaphore, #tpu.memory_space<semaphore_mem>>) src(%dma_wait3A_10 : memref<3200xi32, #tpu.memory_space<hbm>>) dst(%arg5 : memref<3200xi32, #tpu.memory_space<vmem>>)
      tpu.yield
    }) : () -> ()
    %dma_start3A = arith.constant 0 : i32
    %dma_start3A_3 = arith.constant 0 : i32
    %dma_start3A_4 = tpu.memref_slice %arg2[%dma_start3A, %dma_start3A_3] : memref<8193x16xf32, #tpu.memory_space<hbm>> -> memref<8193x16xf32, #tpu.memory_space<hbm>>
    tpu.enqueue_indirect_dma source(%dma_start3A_4 : memref<8193x16xf32, #tpu.memory_space<hbm>>) target(%arg6 : memref<3200x16xf32, #tpu.memory_space<vmem>>) offsets(%arg5 : memref<3200xi32, #tpu.memory_space<vmem>>) semaphore(%arg7 : memref<!tpu.dma_semaphore, #tpu.memory_space<semaphore_mem>>)
    %dma_wait3A = arith.constant 0 : i32
    %dma_wait3A_5 = arith.constant 0 : i32
    %dma_wait3A_6 = tpu.memref_slice %arg2[%dma_wait3A, %dma_wait3A_5] : memref<8193x16xf32, #tpu.memory_space<hbm>> -> memref<8193x16xf32, #tpu.memory_space<hbm>>
    tpu.wait_indirect_dma semaphore(%arg7 : memref<!tpu.dma_semaphore, #tpu.memory_space<semaphore_mem>>) src(%dma_wait3A_6 : memref<8193x16xf32, #tpu.memory_space<hbm>>) dst(%arg6 : memref<3200x16xf32, #tpu.memory_space<vmem>>)
    "tpu.region"() ({
      %run_scoped3A = tpu.sem_alloc : memref<!tpu.dma_semaphore, #tpu.memory_space<semaphore_mem>>
      %dma_start3A_7 = arith.constant 0 : i32
      %dma_start3A_8 = tpu.memref_slice %arg4[%mul3A_2, %dma_start3A_7] : memref<102400x16xf32, #tpu.memory_space<hbm>> -> memref<3200x16xf32, #tpu.memory_space<hbm>>
      %dma_start3A_9 = arith.constant 0 : i32
      %dma_start3A_10 = tpu.memref_slice %arg4[%mul3A_2, %dma_start3A_9] : memref<102400x16xf32, #tpu.memory_space<hbm>> -> memref<3200x16xf32, #tpu.memory_space<hbm>>
      tpu.enqueue_dma source(%arg6 : memref<3200x16xf32, #tpu.memory_space<vmem>>) target(%dma_start3A_10 : memref<3200x16xf32, #tpu.memory_space<hbm>>) target_semaphore(%run_scoped3A : memref<!tpu.dma_semaphore, #tpu.memory_space<semaphore_mem>>)
      %dma_wait3A_11 = arith.constant 0 : i32
      %dma_wait3A_12 = tpu.memref_slice %arg4[%mul3A_2, %dma_wait3A_11] : memref<102400x16xf32, #tpu.memory_space<hbm>> -> memref<3200x16xf32, #tpu.memory_space<hbm>>
      %dma_wait3A_13 = arith.constant 0 : i32
      %dma_wait3A_14 = tpu.memref_slice %arg4[%mul3A_2, %dma_wait3A_13] : memref<102400x16xf32, #tpu.memory_space<hbm>> -> memref<3200x16xf32, #tpu.memory_space<hbm>>
      tpu.wait_dma2 semaphore(%run_scoped3A : memref<!tpu.dma_semaphore, #tpu.memory_space<semaphore_mem>>) src(%arg6 : memref<3200x16xf32, #tpu.memory_space<vmem>>) dst(%dma_wait3A_14 : memref<3200x16xf32, #tpu.memory_space<hbm>>)
      tpu.yield
    }) : () -> ()
    return
  }
}

module attributes {stable_mosaic.version = 14 : i64} {
  func.func @_bq_kernel(%arg0: i32, %arg1: memref<256x3xf32, #tpu.memory_space<vmem>>, %arg2: memref<3x8192xf32, #tpu.memory_space<vmem>>, %arg3: memref<256x10xi32, #tpu.memory_space<vmem>>, %arg4: memref<256x10xi32, #tpu.memory_space<vmem>>) attributes {dimension_semantics = [#tpu.dimension_semantics<arbitrary>], iteration_bounds = array<i64: 40>, scalar_prefetch = 0 : i64, scratch_operands = 0 : i64, tpu.core_type = #tpu.core_type<tc>, window_params = [{transform_indices = @transform_0, window_bounds = array<i64: 256, 3>}, {pipeline_mode = #tpu.pipeline_mode<synchronous>, transform_indices = @transform_1, window_bounds = array<i64: 3, 8192>}, {transform_indices = @transform_2, window_bounds = array<i64: 256, 10>}, {transform_indices = @transform_3, window_bounds = array<i64: 256, 10>}]} {
    %get3A = arith.constant 0 : index
    %get3A_0 = arith.constant 0 : index
    %get3A_1 = vector.load %arg1[%get3A, %get3A_0] : memref<256x3xf32, #tpu.memory_space<vmem>>, vector<256x3xf32>
    %get3A_2 = arith.constant 0 : index
    %get3A_3 = arith.constant 0 : index
    %get3A_4 = vector.load %arg2[%get3A_2, %get3A_3] : memref<3x8192xf32, #tpu.memory_space<vmem>>, vector<3x8192xf32>
    %slice3A = vector.extract_strided_slice %get3A_1 {offsets = [0, 0], sizes = [256, 1], strides = [1, 1]} : vector<256x3xf32> to vector<256x1xf32>
    %slice3A_5 = vector.extract_strided_slice %get3A_1 {offsets = [0, 1], sizes = [256, 1], strides = [1, 1]} : vector<256x3xf32> to vector<256x1xf32>
    %slice3A_6 = vector.extract_strided_slice %get3A_1 {offsets = [0, 2], sizes = [256, 1], strides = [1, 1]} : vector<256x3xf32> to vector<256x1xf32>
    %slice3A_7 = vector.extract_strided_slice %get3A_4 {offsets = [0, 0], sizes = [1, 8192], strides = [1, 1]} : vector<3x8192xf32> to vector<1x8192xf32>
    %slice3A_8 = vector.extract_strided_slice %get3A_4 {offsets = [1, 0], sizes = [1, 8192], strides = [1, 1]} : vector<3x8192xf32> to vector<1x8192xf32>
    %slice3A_9 = vector.extract_strided_slice %get3A_4 {offsets = [2, 0], sizes = [1, 8192], strides = [1, 1]} : vector<3x8192xf32> to vector<1x8192xf32>
    %mul3A = arith.mulf %slice3A, %slice3A : vector<256x1xf32>
    %mul3A_10 = arith.mulf %slice3A_5, %slice3A_5 : vector<256x1xf32>
    %add3A = arith.addf %mul3A, %mul3A_10 : vector<256x1xf32>
    %mul3A_11 = arith.mulf %slice3A_6, %slice3A_6 : vector<256x1xf32>
    %add3A_12 = arith.addf %add3A, %mul3A_11 : vector<256x1xf32>
    %mul3A_13 = arith.mulf %slice3A_7, %slice3A_7 : vector<1x8192xf32>
    %mul3A_14 = arith.mulf %slice3A_8, %slice3A_8 : vector<1x8192xf32>
    %add3A_15 = arith.addf %mul3A_13, %mul3A_14 : vector<1x8192xf32>
    %mul3A_16 = arith.mulf %slice3A_9, %slice3A_9 : vector<1x8192xf32>
    %add3A_17 = arith.addf %add3A_15, %mul3A_16 : vector<1x8192xf32>
    %dot_general3A = arith.constant dense<0.000000e+00> : vector<256x8192xf32>
    %dot_general3A_18 = tpu.matmul %get3A_1, %get3A_4, %dot_general3A {dimension_numbers = #tpu.dot_dimension_numbers<[1], [0], [0], [1], [0, 0, 1, 1], [], []>, transpose_lhs_hint = false} : vector<256x3xf32>, vector<3x8192xf32>, vector<256x8192xf32> -> vector<256x8192xf32>
    %add3A_19 = vector.broadcast %add3A_12 : vector<256x1xf32> to vector<256x8192xf32>
    %add3A_20 = vector.broadcast %add3A_17 : vector<1x8192xf32> to vector<256x8192xf32>
    %add3A_21 = arith.addf %add3A_19, %add3A_20 : vector<256x8192xf32>
    %mul3A_22 = arith.constant 2.000000e+00 : f32
    %mul3A_23 = vector.broadcast %mul3A_22 : f32 to vector<256x8192xf32>
    %mul3A_24 = arith.mulf %mul3A_23, %dot_general3A_18 : vector<256x8192xf32>
    %sub3A = arith.subf %add3A_21, %mul3A_24 : vector<256x8192xf32>
    %le3A = arith.constant 6.250000e-02 : f32
    %le3A_25 = vector.broadcast %le3A : f32 to vector<256x8192xf32>
    %le3A_26 = arith.cmpf ole, %sub3A, %le3A_25 : vector<256x8192xf32>
    %neg3A = arith.constant 0.000000e+00 : f32
    %neg3A_27 = vector.broadcast %neg3A : f32 to vector<256x8192xf32>
    %neg3A_28 = arith.subf %neg3A_27, %sub3A : vector<256x8192xf32>
    %jit3A = arith.constant 0xFF800000 : f32
    %broadcast_in_dim3A = vector.broadcast %jit3A : f32 to vector<256x8192xf32>
    %select_n3A = arith.select %le3A_26, %neg3A_28, %broadcast_in_dim3A : vector<256x8192xi1>, vector<256x8192xf32>
    %iota3A = tpu.iota {dimensions = array<i32: 1>} : vector<256x8192xi32>
    %reduce_max3A = arith.constant dense<0xFF800000> : vector<256xf32>
    %reduce_max3A_29 = vector.multi_reduction <maximumf>, %select_n3A, %reduce_max3A [1] : vector<256x8192xf32> to vector<256xf32>
    %broadcast_in_dim3A_30 = vector.shape_cast %reduce_max3A_29 : vector<256xf32> to vector<256x1xf32>
    %gt3A = arith.constant 0xFF800000 : f32
    %gt3A_31 = vector.broadcast %gt3A : f32 to vector<256x1xf32>
    %gt3A_32 = arith.cmpf ogt, %broadcast_in_dim3A_30, %gt3A_31 : vector<256x1xf32>
    %eq3A = vector.broadcast %broadcast_in_dim3A_30 : vector<256x1xf32> to vector<256x8192xf32>
    %eq3A_33 = arith.cmpf oeq, %select_n3A, %eq3A : vector<256x8192xf32>
    %jit3A_34 = arith.constant 8192 : i32
    %broadcast_in_dim3A_35 = vector.broadcast %jit3A_34 : i32 to vector<256x8192xi32>
    %select_n3A_36 = arith.select %eq3A_33, %iota3A, %broadcast_in_dim3A_35 : vector<256x8192xi1>, vector<256x8192xi32>
    %reduce_min3A = arith.constant dense<2147483647> : vector<256xi32>
    %reduce_min3A_37 = vector.multi_reduction <minsi>, %select_n3A_36, %reduce_min3A [1] : vector<256x8192xi32> to vector<256xi32>
    %broadcast_in_dim3A_38 = vector.shape_cast %reduce_min3A_37 : vector<256xi32> to vector<256x1xi32>
    %jit3A_39 = arith.constant 0 : i32
    %broadcast_in_dim3A_40 = vector.broadcast %jit3A_39 : i32 to vector<256x1xi32>
    %select_n3A_41 = arith.select %gt3A_32, %broadcast_in_dim3A_38, %broadcast_in_dim3A_40 : vector<256x1xi1>, vector<256x1xi32>
    %jit3A_42 = arith.constant 8192 : i32
    %broadcast_in_dim3A_43 = vector.broadcast %jit3A_42 : i32 to vector<256x1xi32>
    %select_n3A_44 = arith.select %gt3A_32, %broadcast_in_dim3A_38, %broadcast_in_dim3A_43 : vector<256x1xi1>, vector<256x1xi32>
    %eq3A_45 = vector.broadcast %broadcast_in_dim3A_38 : vector<256x1xi32> to vector<256x8192xi32>
    %eq3A_46 = arith.cmpi eq, %iota3A, %eq3A_45 : vector<256x8192xi32>
    %jit3A_47 = arith.constant 0xFF800000 : f32
    %broadcast_in_dim3A_48 = vector.broadcast %jit3A_47 : f32 to vector<256x8192xf32>
    %select_n3A_49 = arith.select %eq3A_46, %broadcast_in_dim3A_48, %select_n3A : vector<256x8192xi1>, vector<256x8192xf32>
    %reduce_max3A_50 = arith.constant dense<0xFF800000> : vector<256xf32>
    %reduce_max3A_51 = vector.multi_reduction <maximumf>, %select_n3A_49, %reduce_max3A_50 [1] : vector<256x8192xf32> to vector<256xf32>
    %broadcast_in_dim3A_52 = vector.shape_cast %reduce_max3A_51 : vector<256xf32> to vector<256x1xf32>
    %gt3A_53 = arith.constant 0xFF800000 : f32
    %gt3A_54 = vector.broadcast %gt3A_53 : f32 to vector<256x1xf32>
    %gt3A_55 = arith.cmpf ogt, %broadcast_in_dim3A_52, %gt3A_54 : vector<256x1xf32>
    %eq3A_56 = vector.broadcast %broadcast_in_dim3A_52 : vector<256x1xf32> to vector<256x8192xf32>
    %eq3A_57 = arith.cmpf oeq, %select_n3A_49, %eq3A_56 : vector<256x8192xf32>
    %jit3A_58 = arith.constant 8192 : i32
    %broadcast_in_dim3A_59 = vector.broadcast %jit3A_58 : i32 to vector<256x8192xi32>
    %select_n3A_60 = arith.select %eq3A_57, %iota3A, %broadcast_in_dim3A_59 : vector<256x8192xi1>, vector<256x8192xi32>
    %reduce_min3A_61 = arith.constant dense<2147483647> : vector<256xi32>
    %reduce_min3A_62 = vector.multi_reduction <minsi>, %select_n3A_60, %reduce_min3A_61 [1] : vector<256x8192xi32> to vector<256xi32>
    %broadcast_in_dim3A_63 = vector.shape_cast %reduce_min3A_62 : vector<256xi32> to vector<256x1xi32>
    %jit3A_64 = arith.constant 0 : i32
    %broadcast_in_dim3A_65 = vector.broadcast %jit3A_64 : i32 to vector<256x1xi32>
    %select_n3A_66 = arith.select %gt3A_55, %broadcast_in_dim3A_63, %broadcast_in_dim3A_65 : vector<256x1xi1>, vector<256x1xi32>
    %jit3A_67 = arith.constant 8192 : i32
    %broadcast_in_dim3A_68 = vector.broadcast %jit3A_67 : i32 to vector<256x1xi32>
    %select_n3A_69 = arith.select %gt3A_55, %broadcast_in_dim3A_63, %broadcast_in_dim3A_68 : vector<256x1xi1>, vector<256x1xi32>
    %eq3A_70 = vector.broadcast %broadcast_in_dim3A_63 : vector<256x1xi32> to vector<256x8192xi32>
    %eq3A_71 = arith.cmpi eq, %iota3A, %eq3A_70 : vector<256x8192xi32>
    %jit3A_72 = arith.constant 0xFF800000 : f32
    %broadcast_in_dim3A_73 = vector.broadcast %jit3A_72 : f32 to vector<256x8192xf32>
    %select_n3A_74 = arith.select %eq3A_71, %broadcast_in_dim3A_73, %select_n3A_49 : vector<256x8192xi1>, vector<256x8192xf32>
    %reduce_max3A_75 = arith.constant dense<0xFF800000> : vector<256xf32>
    %reduce_max3A_76 = vector.multi_reduction <maximumf>, %select_n3A_74, %reduce_max3A_75 [1] : vector<256x8192xf32> to vector<256xf32>
    %broadcast_in_dim3A_77 = vector.shape_cast %reduce_max3A_76 : vector<256xf32> to vector<256x1xf32>
    %gt3A_78 = arith.constant 0xFF800000 : f32
    %gt3A_79 = vector.broadcast %gt3A_78 : f32 to vector<256x1xf32>
    %gt3A_80 = arith.cmpf ogt, %broadcast_in_dim3A_77, %gt3A_79 : vector<256x1xf32>
    %eq3A_81 = vector.broadcast %broadcast_in_dim3A_77 : vector<256x1xf32> to vector<256x8192xf32>
    %eq3A_82 = arith.cmpf oeq, %select_n3A_74, %eq3A_81 : vector<256x8192xf32>
    %jit3A_83 = arith.constant 8192 : i32
    %broadcast_in_dim3A_84 = vector.broadcast %jit3A_83 : i32 to vector<256x8192xi32>
    %select_n3A_85 = arith.select %eq3A_82, %iota3A, %broadcast_in_dim3A_84 : vector<256x8192xi1>, vector<256x8192xi32>
    %reduce_min3A_86 = arith.constant dense<2147483647> : vector<256xi32>
    %reduce_min3A_87 = vector.multi_reduction <minsi>, %select_n3A_85, %reduce_min3A_86 [1] : vector<256x8192xi32> to vector<256xi32>
    %broadcast_in_dim3A_88 = vector.shape_cast %reduce_min3A_87 : vector<256xi32> to vector<256x1xi32>
    %jit3A_89 = arith.constant 0 : i32
    %broadcast_in_dim3A_90 = vector.broadcast %jit3A_89 : i32 to vector<256x1xi32>
    %select_n3A_91 = arith.select %gt3A_80, %broadcast_in_dim3A_88, %broadcast_in_dim3A_90 : vector<256x1xi1>, vector<256x1xi32>
    %jit3A_92 = arith.constant 8192 : i32
    %broadcast_in_dim3A_93 = vector.broadcast %jit3A_92 : i32 to vector<256x1xi32>
    %select_n3A_94 = arith.select %gt3A_80, %broadcast_in_dim3A_88, %broadcast_in_dim3A_93 : vector<256x1xi1>, vector<256x1xi32>
    %eq3A_95 = vector.broadcast %broadcast_in_dim3A_88 : vector<256x1xi32> to vector<256x8192xi32>
    %eq3A_96 = arith.cmpi eq, %iota3A, %eq3A_95 : vector<256x8192xi32>
    %jit3A_97 = arith.constant 0xFF800000 : f32
    %broadcast_in_dim3A_98 = vector.broadcast %jit3A_97 : f32 to vector<256x8192xf32>
    %select_n3A_99 = arith.select %eq3A_96, %broadcast_in_dim3A_98, %select_n3A_74 : vector<256x8192xi1>, vector<256x8192xf32>
    %reduce_max3A_100 = arith.constant dense<0xFF800000> : vector<256xf32>
    %reduce_max3A_101 = vector.multi_reduction <maximumf>, %select_n3A_99, %reduce_max3A_100 [1] : vector<256x8192xf32> to vector<256xf32>
    %broadcast_in_dim3A_102 = vector.shape_cast %reduce_max3A_101 : vector<256xf32> to vector<256x1xf32>
    %gt3A_103 = arith.constant 0xFF800000 : f32
    %gt3A_104 = vector.broadcast %gt3A_103 : f32 to vector<256x1xf32>
    %gt3A_105 = arith.cmpf ogt, %broadcast_in_dim3A_102, %gt3A_104 : vector<256x1xf32>
    %eq3A_106 = vector.broadcast %broadcast_in_dim3A_102 : vector<256x1xf32> to vector<256x8192xf32>
    %eq3A_107 = arith.cmpf oeq, %select_n3A_99, %eq3A_106 : vector<256x8192xf32>
    %jit3A_108 = arith.constant 8192 : i32
    %broadcast_in_dim3A_109 = vector.broadcast %jit3A_108 : i32 to vector<256x8192xi32>
    %select_n3A_110 = arith.select %eq3A_107, %iota3A, %broadcast_in_dim3A_109 : vector<256x8192xi1>, vector<256x8192xi32>
    %reduce_min3A_111 = arith.constant dense<2147483647> : vector<256xi32>
    %reduce_min3A_112 = vector.multi_reduction <minsi>, %select_n3A_110, %reduce_min3A_111 [1] : vector<256x8192xi32> to vector<256xi32>
    %broadcast_in_dim3A_113 = vector.shape_cast %reduce_min3A_112 : vector<256xi32> to vector<256x1xi32>
    %jit3A_114 = arith.constant 0 : i32
    %broadcast_in_dim3A_115 = vector.broadcast %jit3A_114 : i32 to vector<256x1xi32>
    %select_n3A_116 = arith.select %gt3A_105, %broadcast_in_dim3A_113, %broadcast_in_dim3A_115 : vector<256x1xi1>, vector<256x1xi32>
    %jit3A_117 = arith.constant 8192 : i32
    %broadcast_in_dim3A_118 = vector.broadcast %jit3A_117 : i32 to vector<256x1xi32>
    %select_n3A_119 = arith.select %gt3A_105, %broadcast_in_dim3A_113, %broadcast_in_dim3A_118 : vector<256x1xi1>, vector<256x1xi32>
    %eq3A_120 = vector.broadcast %broadcast_in_dim3A_113 : vector<256x1xi32> to vector<256x8192xi32>
    %eq3A_121 = arith.cmpi eq, %iota3A, %eq3A_120 : vector<256x8192xi32>
    %jit3A_122 = arith.constant 0xFF800000 : f32
    %broadcast_in_dim3A_123 = vector.broadcast %jit3A_122 : f32 to vector<256x8192xf32>
    %select_n3A_124 = arith.select %eq3A_121, %broadcast_in_dim3A_123, %select_n3A_99 : vector<256x8192xi1>, vector<256x8192xf32>
    %reduce_max3A_125 = arith.constant dense<0xFF800000> : vector<256xf32>
    %reduce_max3A_126 = vector.multi_reduction <maximumf>, %select_n3A_124, %reduce_max3A_125 [1] : vector<256x8192xf32> to vector<256xf32>
    %broadcast_in_dim3A_127 = vector.shape_cast %reduce_max3A_126 : vector<256xf32> to vector<256x1xf32>
    %gt3A_128 = arith.constant 0xFF800000 : f32
    %gt3A_129 = vector.broadcast %gt3A_128 : f32 to vector<256x1xf32>
    %gt3A_130 = arith.cmpf ogt, %broadcast_in_dim3A_127, %gt3A_129 : vector<256x1xf32>
    %eq3A_131 = vector.broadcast %broadcast_in_dim3A_127 : vector<256x1xf32> to vector<256x8192xf32>
    %eq3A_132 = arith.cmpf oeq, %select_n3A_124, %eq3A_131 : vector<256x8192xf32>
    %jit3A_133 = arith.constant 8192 : i32
    %broadcast_in_dim3A_134 = vector.broadcast %jit3A_133 : i32 to vector<256x8192xi32>
    %select_n3A_135 = arith.select %eq3A_132, %iota3A, %broadcast_in_dim3A_134 : vector<256x8192xi1>, vector<256x8192xi32>
    %reduce_min3A_136 = arith.constant dense<2147483647> : vector<256xi32>
    %reduce_min3A_137 = vector.multi_reduction <minsi>, %select_n3A_135, %reduce_min3A_136 [1] : vector<256x8192xi32> to vector<256xi32>
    %broadcast_in_dim3A_138 = vector.shape_cast %reduce_min3A_137 : vector<256xi32> to vector<256x1xi32>
    %jit3A_139 = arith.constant 0 : i32
    %broadcast_in_dim3A_140 = vector.broadcast %jit3A_139 : i32 to vector<256x1xi32>
    %select_n3A_141 = arith.select %gt3A_130, %broadcast_in_dim3A_138, %broadcast_in_dim3A_140 : vector<256x1xi1>, vector<256x1xi32>
    %jit3A_142 = arith.constant 8192 : i32
    %broadcast_in_dim3A_143 = vector.broadcast %jit3A_142 : i32 to vector<256x1xi32>
    %select_n3A_144 = arith.select %gt3A_130, %broadcast_in_dim3A_138, %broadcast_in_dim3A_143 : vector<256x1xi1>, vector<256x1xi32>
    %eq3A_145 = vector.broadcast %broadcast_in_dim3A_138 : vector<256x1xi32> to vector<256x8192xi32>
    %eq3A_146 = arith.cmpi eq, %iota3A, %eq3A_145 : vector<256x8192xi32>
    %jit3A_147 = arith.constant 0xFF800000 : f32
    %broadcast_in_dim3A_148 = vector.broadcast %jit3A_147 : f32 to vector<256x8192xf32>
    %select_n3A_149 = arith.select %eq3A_146, %broadcast_in_dim3A_148, %select_n3A_124 : vector<256x8192xi1>, vector<256x8192xf32>
    %reduce_max3A_150 = arith.constant dense<0xFF800000> : vector<256xf32>
    %reduce_max3A_151 = vector.multi_reduction <maximumf>, %select_n3A_149, %reduce_max3A_150 [1] : vector<256x8192xf32> to vector<256xf32>
    %broadcast_in_dim3A_152 = vector.shape_cast %reduce_max3A_151 : vector<256xf32> to vector<256x1xf32>
    %gt3A_153 = arith.constant 0xFF800000 : f32
    %gt3A_154 = vector.broadcast %gt3A_153 : f32 to vector<256x1xf32>
    %gt3A_155 = arith.cmpf ogt, %broadcast_in_dim3A_152, %gt3A_154 : vector<256x1xf32>
    %eq3A_156 = vector.broadcast %broadcast_in_dim3A_152 : vector<256x1xf32> to vector<256x8192xf32>
    %eq3A_157 = arith.cmpf oeq, %select_n3A_149, %eq3A_156 : vector<256x8192xf32>
    %jit3A_158 = arith.constant 8192 : i32
    %broadcast_in_dim3A_159 = vector.broadcast %jit3A_158 : i32 to vector<256x8192xi32>
    %select_n3A_160 = arith.select %eq3A_157, %iota3A, %broadcast_in_dim3A_159 : vector<256x8192xi1>, vector<256x8192xi32>
    %reduce_min3A_161 = arith.constant dense<2147483647> : vector<256xi32>
    %reduce_min3A_162 = vector.multi_reduction <minsi>, %select_n3A_160, %reduce_min3A_161 [1] : vector<256x8192xi32> to vector<256xi32>
    %broadcast_in_dim3A_163 = vector.shape_cast %reduce_min3A_162 : vector<256xi32> to vector<256x1xi32>
    %jit3A_164 = arith.constant 0 : i32
    %broadcast_in_dim3A_165 = vector.broadcast %jit3A_164 : i32 to vector<256x1xi32>
    %select_n3A_166 = arith.select %gt3A_155, %broadcast_in_dim3A_163, %broadcast_in_dim3A_165 : vector<256x1xi1>, vector<256x1xi32>
    %jit3A_167 = arith.constant 8192 : i32
    %broadcast_in_dim3A_168 = vector.broadcast %jit3A_167 : i32 to vector<256x1xi32>
    %select_n3A_169 = arith.select %gt3A_155, %broadcast_in_dim3A_163, %broadcast_in_dim3A_168 : vector<256x1xi1>, vector<256x1xi32>
    %eq3A_170 = vector.broadcast %broadcast_in_dim3A_163 : vector<256x1xi32> to vector<256x8192xi32>
    %eq3A_171 = arith.cmpi eq, %iota3A, %eq3A_170 : vector<256x8192xi32>
    %jit3A_172 = arith.constant 0xFF800000 : f32
    %broadcast_in_dim3A_173 = vector.broadcast %jit3A_172 : f32 to vector<256x8192xf32>
    %select_n3A_174 = arith.select %eq3A_171, %broadcast_in_dim3A_173, %select_n3A_149 : vector<256x8192xi1>, vector<256x8192xf32>
    %reduce_max3A_175 = arith.constant dense<0xFF800000> : vector<256xf32>
    %reduce_max3A_176 = vector.multi_reduction <maximumf>, %select_n3A_174, %reduce_max3A_175 [1] : vector<256x8192xf32> to vector<256xf32>
    %broadcast_in_dim3A_177 = vector.shape_cast %reduce_max3A_176 : vector<256xf32> to vector<256x1xf32>
    %gt3A_178 = arith.constant 0xFF800000 : f32
    %gt3A_179 = vector.broadcast %gt3A_178 : f32 to vector<256x1xf32>
    %gt3A_180 = arith.cmpf ogt, %broadcast_in_dim3A_177, %gt3A_179 : vector<256x1xf32>
    %eq3A_181 = vector.broadcast %broadcast_in_dim3A_177 : vector<256x1xf32> to vector<256x8192xf32>
    %eq3A_182 = arith.cmpf oeq, %select_n3A_174, %eq3A_181 : vector<256x8192xf32>
    %jit3A_183 = arith.constant 8192 : i32
    %broadcast_in_dim3A_184 = vector.broadcast %jit3A_183 : i32 to vector<256x8192xi32>
    %select_n3A_185 = arith.select %eq3A_182, %iota3A, %broadcast_in_dim3A_184 : vector<256x8192xi1>, vector<256x8192xi32>
    %reduce_min3A_186 = arith.constant dense<2147483647> : vector<256xi32>
    %reduce_min3A_187 = vector.multi_reduction <minsi>, %select_n3A_185, %reduce_min3A_186 [1] : vector<256x8192xi32> to vector<256xi32>
    %broadcast_in_dim3A_188 = vector.shape_cast %reduce_min3A_187 : vector<256xi32> to vector<256x1xi32>
    %jit3A_189 = arith.constant 0 : i32
    %broadcast_in_dim3A_190 = vector.broadcast %jit3A_189 : i32 to vector<256x1xi32>
    %select_n3A_191 = arith.select %gt3A_180, %broadcast_in_dim3A_188, %broadcast_in_dim3A_190 : vector<256x1xi1>, vector<256x1xi32>
    %jit3A_192 = arith.constant 8192 : i32
    %broadcast_in_dim3A_193 = vector.broadcast %jit3A_192 : i32 to vector<256x1xi32>
    %select_n3A_194 = arith.select %gt3A_180, %broadcast_in_dim3A_188, %broadcast_in_dim3A_193 : vector<256x1xi1>, vector<256x1xi32>
    %eq3A_195 = vector.broadcast %broadcast_in_dim3A_188 : vector<256x1xi32> to vector<256x8192xi32>
    %eq3A_196 = arith.cmpi eq, %iota3A, %eq3A_195 : vector<256x8192xi32>
    %jit3A_197 = arith.constant 0xFF800000 : f32
    %broadcast_in_dim3A_198 = vector.broadcast %jit3A_197 : f32 to vector<256x8192xf32>
    %select_n3A_199 = arith.select %eq3A_196, %broadcast_in_dim3A_198, %select_n3A_174 : vector<256x8192xi1>, vector<256x8192xf32>
    %reduce_max3A_200 = arith.constant dense<0xFF800000> : vector<256xf32>
    %reduce_max3A_201 = vector.multi_reduction <maximumf>, %select_n3A_199, %reduce_max3A_200 [1] : vector<256x8192xf32> to vector<256xf32>
    %broadcast_in_dim3A_202 = vector.shape_cast %reduce_max3A_201 : vector<256xf32> to vector<256x1xf32>
    %gt3A_203 = arith.constant 0xFF800000 : f32
    %gt3A_204 = vector.broadcast %gt3A_203 : f32 to vector<256x1xf32>
    %gt3A_205 = arith.cmpf ogt, %broadcast_in_dim3A_202, %gt3A_204 : vector<256x1xf32>
    %eq3A_206 = vector.broadcast %broadcast_in_dim3A_202 : vector<256x1xf32> to vector<256x8192xf32>
    %eq3A_207 = arith.cmpf oeq, %select_n3A_199, %eq3A_206 : vector<256x8192xf32>
    %jit3A_208 = arith.constant 8192 : i32
    %broadcast_in_dim3A_209 = vector.broadcast %jit3A_208 : i32 to vector<256x8192xi32>
    %select_n3A_210 = arith.select %eq3A_207, %iota3A, %broadcast_in_dim3A_209 : vector<256x8192xi1>, vector<256x8192xi32>
    %reduce_min3A_211 = arith.constant dense<2147483647> : vector<256xi32>
    %reduce_min3A_212 = vector.multi_reduction <minsi>, %select_n3A_210, %reduce_min3A_211 [1] : vector<256x8192xi32> to vector<256xi32>
    %broadcast_in_dim3A_213 = vector.shape_cast %reduce_min3A_212 : vector<256xi32> to vector<256x1xi32>
    %jit3A_214 = arith.constant 0 : i32
    %broadcast_in_dim3A_215 = vector.broadcast %jit3A_214 : i32 to vector<256x1xi32>
    %select_n3A_216 = arith.select %gt3A_205, %broadcast_in_dim3A_213, %broadcast_in_dim3A_215 : vector<256x1xi1>, vector<256x1xi32>
    %jit3A_217 = arith.constant 8192 : i32
    %broadcast_in_dim3A_218 = vector.broadcast %jit3A_217 : i32 to vector<256x1xi32>
    %select_n3A_219 = arith.select %gt3A_205, %broadcast_in_dim3A_213, %broadcast_in_dim3A_218 : vector<256x1xi1>, vector<256x1xi32>
    %eq3A_220 = vector.broadcast %broadcast_in_dim3A_213 : vector<256x1xi32> to vector<256x8192xi32>
    %eq3A_221 = arith.cmpi eq, %iota3A, %eq3A_220 : vector<256x8192xi32>
    %jit3A_222 = arith.constant 0xFF800000 : f32
    %broadcast_in_dim3A_223 = vector.broadcast %jit3A_222 : f32 to vector<256x8192xf32>
    %select_n3A_224 = arith.select %eq3A_221, %broadcast_in_dim3A_223, %select_n3A_199 : vector<256x8192xi1>, vector<256x8192xf32>
    %reduce_max3A_225 = arith.constant dense<0xFF800000> : vector<256xf32>
    %reduce_max3A_226 = vector.multi_reduction <maximumf>, %select_n3A_224, %reduce_max3A_225 [1] : vector<256x8192xf32> to vector<256xf32>
    %broadcast_in_dim3A_227 = vector.shape_cast %reduce_max3A_226 : vector<256xf32> to vector<256x1xf32>
    %gt3A_228 = arith.constant 0xFF800000 : f32
    %gt3A_229 = vector.broadcast %gt3A_228 : f32 to vector<256x1xf32>
    %gt3A_230 = arith.cmpf ogt, %broadcast_in_dim3A_227, %gt3A_229 : vector<256x1xf32>
    %eq3A_231 = vector.broadcast %broadcast_in_dim3A_227 : vector<256x1xf32> to vector<256x8192xf32>
    %eq3A_232 = arith.cmpf oeq, %select_n3A_224, %eq3A_231 : vector<256x8192xf32>
    %jit3A_233 = arith.constant 8192 : i32
    %broadcast_in_dim3A_234 = vector.broadcast %jit3A_233 : i32 to vector<256x8192xi32>
    %select_n3A_235 = arith.select %eq3A_232, %iota3A, %broadcast_in_dim3A_234 : vector<256x8192xi1>, vector<256x8192xi32>
    %reduce_min3A_236 = arith.constant dense<2147483647> : vector<256xi32>
    %reduce_min3A_237 = vector.multi_reduction <minsi>, %select_n3A_235, %reduce_min3A_236 [1] : vector<256x8192xi32> to vector<256xi32>
    %broadcast_in_dim3A_238 = vector.shape_cast %reduce_min3A_237 : vector<256xi32> to vector<256x1xi32>
    %jit3A_239 = arith.constant 0 : i32
    %broadcast_in_dim3A_240 = vector.broadcast %jit3A_239 : i32 to vector<256x1xi32>
    %select_n3A_241 = arith.select %gt3A_230, %broadcast_in_dim3A_238, %broadcast_in_dim3A_240 : vector<256x1xi1>, vector<256x1xi32>
    %jit3A_242 = arith.constant 8192 : i32
    %broadcast_in_dim3A_243 = vector.broadcast %jit3A_242 : i32 to vector<256x1xi32>
    %select_n3A_244 = arith.select %gt3A_230, %broadcast_in_dim3A_238, %broadcast_in_dim3A_243 : vector<256x1xi1>, vector<256x1xi32>
    %eq3A_245 = vector.broadcast %broadcast_in_dim3A_238 : vector<256x1xi32> to vector<256x8192xi32>
    %eq3A_246 = arith.cmpi eq, %iota3A, %eq3A_245 : vector<256x8192xi32>
    %jit3A_247 = arith.constant 0xFF800000 : f32
    %broadcast_in_dim3A_248 = vector.broadcast %jit3A_247 : f32 to vector<256x8192xf32>
    %select_n3A_249 = arith.select %eq3A_246, %broadcast_in_dim3A_248, %select_n3A_224 : vector<256x8192xi1>, vector<256x8192xf32>
    %reduce_max3A_250 = arith.constant dense<0xFF800000> : vector<256xf32>
    %reduce_max3A_251 = vector.multi_reduction <maximumf>, %select_n3A_249, %reduce_max3A_250 [1] : vector<256x8192xf32> to vector<256xf32>
    %broadcast_in_dim3A_252 = vector.shape_cast %reduce_max3A_251 : vector<256xf32> to vector<256x1xf32>
    %gt3A_253 = arith.constant 0xFF800000 : f32
    %gt3A_254 = vector.broadcast %gt3A_253 : f32 to vector<256x1xf32>
    %gt3A_255 = arith.cmpf ogt, %broadcast_in_dim3A_252, %gt3A_254 : vector<256x1xf32>
    %eq3A_256 = vector.broadcast %broadcast_in_dim3A_252 : vector<256x1xf32> to vector<256x8192xf32>
    %eq3A_257 = arith.cmpf oeq, %select_n3A_249, %eq3A_256 : vector<256x8192xf32>
    %jit3A_258 = arith.constant 8192 : i32
    %broadcast_in_dim3A_259 = vector.broadcast %jit3A_258 : i32 to vector<256x8192xi32>
    %select_n3A_260 = arith.select %eq3A_257, %iota3A, %broadcast_in_dim3A_259 : vector<256x8192xi1>, vector<256x8192xi32>
    %reduce_min3A_261 = arith.constant dense<2147483647> : vector<256xi32>
    %reduce_min3A_262 = vector.multi_reduction <minsi>, %select_n3A_260, %reduce_min3A_261 [1] : vector<256x8192xi32> to vector<256xi32>
    %broadcast_in_dim3A_263 = vector.shape_cast %reduce_min3A_262 : vector<256xi32> to vector<256x1xi32>
    %jit3A_264 = arith.constant 0 : i32
    %broadcast_in_dim3A_265 = vector.broadcast %jit3A_264 : i32 to vector<256x1xi32>
    %select_n3A_266 = arith.select %gt3A_255, %broadcast_in_dim3A_263, %broadcast_in_dim3A_265 : vector<256x1xi1>, vector<256x1xi32>
    %jit3A_267 = arith.constant 8192 : i32
    %broadcast_in_dim3A_268 = vector.broadcast %jit3A_267 : i32 to vector<256x1xi32>
    %select_n3A_269 = arith.select %gt3A_255, %broadcast_in_dim3A_263, %broadcast_in_dim3A_268 : vector<256x1xi1>, vector<256x1xi32>
    %concatenate3A = tpu.concatenate %select_n3A_41, %select_n3A_66, %select_n3A_91, %select_n3A_116, %select_n3A_141, %select_n3A_166, %select_n3A_191, %select_n3A_216, %select_n3A_241, %select_n3A_266 in 1 : vector<256x1xi32>, vector<256x1xi32>, vector<256x1xi32>, vector<256x1xi32>, vector<256x1xi32>, vector<256x1xi32>, vector<256x1xi32>, vector<256x1xi32>, vector<256x1xi32>, vector<256x1xi32> -> vector<256x10xi32>
    %swap3A = arith.constant 0 : index
    %swap3A_270 = arith.constant 0 : index
    %swap3A_271 = vector.load %arg3[%swap3A, %swap3A_270] : memref<256x10xi32, #tpu.memory_space<vmem>>, vector<256x10xi32>
    tpu.vector_store %arg3[%swap3A, %swap3A_270], %concatenate3A {strides = array<i32>} : memref<256x10xi32, #tpu.memory_space<vmem>>, vector<256x10xi32>,
    %concatenate3A_272 = tpu.concatenate %select_n3A_44, %select_n3A_69, %select_n3A_94, %select_n3A_119, %select_n3A_144, %select_n3A_169, %select_n3A_194, %select_n3A_219, %select_n3A_244, %select_n3A_269 in 1 : vector<256x1xi32>, vector<256x1xi32>, vector<256x1xi32>, vector<256x1xi32>, vector<256x1xi32>, vector<256x1xi32>, vector<256x1xi32>, vector<256x1xi32>, vector<256x1xi32>, vector<256x1xi32> -> vector<256x10xi32>
    %swap3A_273 = arith.constant 0 : index
    %swap3A_274 = arith.constant 0 : index
    %swap3A_275 = vector.load %arg4[%swap3A_273, %swap3A_274] : memref<256x10xi32, #tpu.memory_space<vmem>>, vector<256x10xi32>
    tpu.vector_store %arg4[%swap3A_273, %swap3A_274], %concatenate3A_272 {strides = array<i32>} : memref<256x10xi32, #tpu.memory_space<vmem>>, vector<256x10xi32>,
    return
  }
  func.func @transform_0(%arg0: i32) -> (i32, i32) {
    %c0_i32 = arith.constant 0 : i32
    %c0_i32_0 = arith.constant 0 : i32
    return %arg0, %c0_i32 : i32, i32
  }
  func.func @transform_1(%arg0: i32) -> (i32, i32) {
    %c0_i32 = arith.constant 0 : i32
    %c0_i32_0 = arith.constant 0 : i32
    %c0_i32_1 = arith.constant 0 : i32
    return %c0_i32, %c0_i32_0 : i32, i32
  }
  func.func @transform_2(%arg0: i32) -> (i32, i32) {
    %c0_i32 = arith.constant 0 : i32
    %c0_i32_0 = arith.constant 0 : i32
    return %arg0, %c0_i32 : i32, i32
  }
  func.func @transform_3(%arg0: i32) -> (i32, i32) {
    %c0_i32 = arith.constant 0 : i32
    %c0_i32_0 = arith.constant 0 : i32
    return %arg0, %c0_i32 : i32, i32
  }
}

</mosaic_0001>

<sc_bundles>
// kernel: kernel.4.cloned.1.call-start
scs
__scs_entry_jumppad:
0x0: {  	(pc) =	sbr.rel $0x88, $3  }
0x1: {  	(tag) =	ssettag $0x0;
	lr =	simm.s32 $0x1  }
0x2: {  	[smem:$0x3F9F] =	sst lr;
	_ =	strace $0xD0000000  }
0x3: {  	_ = 	snop  }
0x4: {  	_ = 	snop  }
0x5: {  	_ = 	snop  }
0x6: {  	_ = 	snop  }
0x7: {  	_ = 	snop  }
__scs_overlays_trampoline_lowered:
0x8: {  	[smem:$0x3FAE] =	sst s0  }
0x9: {  	[smem:$0x3FAF] =	sst s1  }
0xa: {  	[smem:$0x3FB0] =	sst s2  }
0xb: {  	[smem:$0x3FB1] =	sst s3  }
0xc: {  	[smem:$0x3FB2] =	sst s4  }
0xd: {  	[smem:$0x3FB3] =	sst s5  }
0xe: {  	[smem:$0x3FB4] =	sst s6  }
0xf: {  	[smem:$0x3FB5] =	sst s7  }
0x10: {  	[smem:$0x3FB6] =	sst s8  }
0x11: {  	[smem:$0x3FB7] =	sst s9;
	s0 =	simm.s32 @!p0 $0x0  }
0x12: {  	s1 =	sld [smem:$0x3F9D];
	s0 =	simm.s32 @p0 $0x1  }
0x13: {  	[smem:$0x3FB8] =	sst s0;
	s0 =	simm.s32 @!p1 $0x0  }
0x14: {  	s2 =	sld [smem:$0x3F9C];
	s0 =	simm.s32 @p1 $0x1  }
0x15: {  	[smem:$0x3FB9] =	sst s0;
	s0 =	simm.s32 @!p2 $0x0  }
0x16: {  	s3 =	sld [smem:$0x3FDB];
	s0 =	simm.s32 @p2 $0x1  }
0x17: {  	s4 =	simm.s32 $0x1BF5;
	[smem:$0x3FBB] =	sst s0  }
0x18: {  	s0 =	sld [smem:$0x3F9E];
	_ =	swait.ge [sflag:s4], $0x0  }
0x19: {  	s7 =	sld [smem:$0x3F9F]  }
0x1a: {  	s8 =	sadd.s32 $0xFFFFE003, lr  }
0x1b: {  	s9 =	sadd.s32 $0xFFFFFEF7, lr;
	s5 =	simm.s32 $0xFFFFFFFF;
	p2 =	slt.u32 s8, $0xFFFFF086  }
0x1c: {  	p1 =	slt.u32 s9, $0xF7A;
	s5 =	simm.s32 @!p2 $0x0  }
0x1d: {  	s5 =	simm.s32 @p1 $0x1;
	p0 =	seq.s32 s7, s2  }
0x1e: {  	s7 =	smul.u32 @!p0 $0xF7A, s2;
	p2 =	seq.s32 @!p0 s5, $0x0  }
0x1f: {  	s9 =	smul.u32 $0xF7A, s1;
	s8 =	simm.s32 @!p0 $0x1BF5;
	p2 =	por !p2, p0  }
0x20: {  	[sflag:s8] =	ssyncset.s32 @!p0 $0xFFFFF086;
	s6 =	sadd.s32 @!p0 s3, s7;
	s7 =	simm.s32 @!p0 $0x108  }
0x21: {  	s3 =	sadd.s32 s3, s9;
	s6 =	sadd.s32 @!p0 $0x88, s6;
	s7 =	simm.s32 @p2 $0x1082  }
0x22: {  	[simem:s7], [sflag:s8] =	dma.local @!p0 [hbm:s6], $0xF7A  }
0x23: {  	s9 =	sor.u32 $0xD0000000, s2;
	s6 =	simm.s32 $0x108;
	_ =	swait.ge @!p0 [sflag:s8], $0x0  }
0x24: {  	s3 =	sadd.s32 $0x88, s3;
	s6 =	simm.s32 @!p1 $0x1082;
	[sflag:s4] =	ssyncset.s32 $0xFFFFF086  }
0x25: {  	[simem:s6], [sflag:s4] =	dma.local [hbm:s3], $0xF7A  }
0x26: {  	[smem:$0x3F9F] =	sst s1;
	(tag) =	ssettag s2;
	_ =	strace s9  }
0x27: {  	s1 =	sld [smem:$0x3FAF]  }
0x28: {  	s2 =	sld [smem:$0x3FB0]  }
0x29: {  	s4 =	sld [smem:$0x3FB2]  }
0x2a: {  	p0 =	seq.s32 s5, $0x0;
	s5 =	sld [smem:$0x3FB3]  }
0x2b: {  	s6 =	sld [smem:$0x3FB4]  }
0x2c: {  	s7 =	sld [smem:$0x3FB5]  }
0x2d: {  	s3 =	simm.s32 $0x108;
	s8 =	sld [smem:$0x3FB6]  }
0x2e: {  	s3 =	simm.s32 @!p0 $0x1082;
	s9 =	sld [smem:$0x3FB7]  }
0x2f: {  	lr =	sadd.s32 s0, s3;
	s0 =	sld [smem:$0x3FAE]  }
0x30: {  	s3 =	sld [smem:$0x3FB1]  }
0x31: {  	[smem:$0x3FBA] =	sst s10  }
0x32: {  	s10 =	sld [smem:$0x3FB8];
	_ =	sdelay $0x3  }
0x33: {  	p0 =	seq.s32 s10, $0x1;
	s10 =	sld [smem:$0x3FBA];
	_ =	sdelay $0x3  }
0x34: {  	[smem:$0x3FBA] =	sst s10  }
0x35: {  	s10 =	sld [smem:$0x3FB9];
	_ =	sdelay $0x3  }
0x36: {  	p1 =	seq.s32 s10, $0x1;
	s10 =	sld [smem:$0x3FBA];
	_ =	sdelay $0x3  }
0x37: {  	[smem:$0x3FBA] =	sst s10  }
0x38: {  	s10 =	sld [smem:$0x3FBB]  }
0x39: {  	_ = 	snop;
	(pc) =	sbr.ind lr, $3  }
0x3a: {  	_ = 	snop  }
0x3b: {  	_ = 	snop  }
0x3c: {  	p2 =	seq.s32 s10, $0x1;
	s10 =	sld [smem:$0x3FBA]  }
0x3d: {  	_ =	shalt  }
0x3e: {  	_ =	shalt  }
0x3f: {  	_ =	shalt  }
0x40: {  	_ =	shalt  }
0x41: {  	_ =	shalt  }
0x42: {  	_ =	shalt  }
0x43: {  	_ =	shalt  }
0x44: {  	_ =	shalt  }
0x45: {  	_ =	shalt  }
0x46: {  	_ =	shalt  }
0x47: {  	_ =	shalt  }
0x48: {  	_ =	shalt  }
0x49: {  	_ =	shalt  }
0x4a: {  	_ =	shalt  }
0x4b: {  	_ =	shalt  }
0x4c: {  	_ =	shalt  }
0x4d: {  	_ =	shalt  }
0x4e: {  	_ =	shalt  }
0x4f: {  	_ =	shalt  }
0x50: {  	_ =	shalt  }
0x51: {  	_ =	shalt  }
0x52: {  	_ =	shalt  }
0x53: {  	_ =	shalt  }
0x54: {  	_ =	shalt  }
0x55: {  	_ =	shalt  }
0x56: {  	_ =	shalt  }
0x57: {  	_ =	shalt  }
0x58: {  	_ =	shalt  }
0x59: {  	_ =	shalt  }
0x5a: {  	_ =	shalt  }
0x5b: {  	_ =	shalt  }
0x5c: {  	_ =	shalt  }
0x5d: {  	_ =	shalt  }
0x5e: {  	_ =	shalt  }
0x5f: {  	_ =	shalt  }
0x60: {  	_ =	shalt  }
0x61: {  	_ =	shalt  }
0x62: {  	_ =	shalt  }
0x63: {  	_ =	shalt  }
0x64: {  	_ =	shalt  }
0x65: {  	_ =	shalt  }
0x66: {  	_ =	shalt  }
0x67: {  	_ =	shalt  }
0x68: {  	_ =	shalt  }
0x69: {  	_ =	shalt  }
0x6a: {  	_ =	shalt  }
0x6b: {  	_ =	shalt  }
0x6c: {  	_ =	shalt  }
0x6d: {  	_ =	shalt  }
0x6e: {  	_ =	shalt  }
0x6f: {  	_ =	shalt  }
0x70: {  	_ =	shalt  }
0x71: {  	_ =	shalt  }
0x72: {  	_ =	shalt  }
0x73: {  	_ =	shalt  }
0x74: {  	_ =	shalt  }
0x75: {  	_ =	shalt  }
0x76: {  	_ =	shalt  }
0x77: {  	_ =	shalt  }
0x78: {  	_ =	shalt  }
0x79: {  	_ =	shalt  }
0x7a: {  	_ =	shalt  }
0x7b: {  	_ =	shalt  }
0x7c: {  	_ =	shalt  }
0x7d: {  	_ =	shalt  }
0x7e: {  	_ =	shalt  }
0x7f: {  	_ =	shalt  }
0x80: {  	_ =	shalt  }
0x81: {  	_ =	shalt  }
0x82: {  	_ =	shalt  }
0x83: {  	_ =	shalt  }
0x84: {  	_ =	shalt  }
0x85: {  	_ =	shalt  }
0x86: {  	_ =	shalt  }
0x87: {  	_ =	shalt  }
.Lfunc_end0:
.L_simem_size_0:
called_computation_lowered:
.L_overlay_start_0:
0x88: {  	s2 =	sld [smem:$0x3FD9]  }
0x89: {  	s3 =	sld [smem:$0x3FFE];
	_ =	sdelay $0x1  }
0x8a: {  	s1 =	srdreg.scid  }
0x8b: {  	s0 =	sand.u32 $0x1, s1  }
0x8c: {  	s14 =	sshll.u32 s0, $0xA;
	s2 =	sadd.s32 s3, s2  }
0x8d: {  	s2 =	sadd.s32 s2, s14  }
0x8e: {  	[smem:$0x3FC6] =	sst s2  }
0x8f: {  	_ = 	snop  }
0x90: {  	s2 =	sld [smem:$0x3FD0];
	_ =	sdelay $0x2  }
0x91: {  	s15 =	simm.s32 $0xA;
	s4 =	simm.s32 $0x10  }
0x92: {  	[smem:s4], [sflag:s15] =	dma.local [hbm:s2], $0x1  }
0x93: {  	_ =	swait.eq [sflag:s15], $0x1  }
0x94: {  	[sflag:s15] =	ssyncset.done $0x0  }
0x95: {  	[sflag:s15] =	ssyncadd.s32 $0xFFFFFFFF  }
0x96: {  	s16 =	sld [smem:$0x11];
	(tm) =	ssettm $0x1  }
0x97: {  	s17 =	sld [smem:$0x3FFB];
	_ =	sdelay $0x3  }
0x98: {  	_ =	strace s17  }
0x99: {  	s3 =	sld [smem:$0x3FFC];
	_ =	sdelay $0x3  }
0x9a: {  	_ =	strace s3  }
0x9b: {  	s3 =	sld [smem:$0x3FFD];
	_ =	sdelay $0x3  }
0x9c: {  	_ =	strace s3  }
0x9d: {  	_ =	strace $0x8FFFFFFF  }
0x9e: {  	s18 =	sld [smem:$0x3FDB];
	_ =	sdelay $0x1  }
0x9f: {  	s19 =	simm.s32 $_scs_section_size  }
0xa0: {  	s5 =	simm.s32 $_size__tile_overlayer_lowered;
	s6 =	simm.s32 $_tile_overlayer_lowered  }
0xa1: {  	s22 =	simm.s32 $0x1BFF;
	s21 =	sshll.u32 s6, $0x1;
	s3 =	sadd.s32 s19, s18  }
0xa2: {  	s7 =	simm.s32 $0x0;
	s20 =	sshll.u32 s5, $0x1;
	s5 =	sadd.s32 s21, s3  }
0xa3: {  	[timem:s7], [sflag:s22] =	dma.local [hbm:s5], s20  }
0xa4: {  	_ =	swait.ge [sflag:s22], s20  }
0xa5: {  	s4 =	ssub.s32 $0x0, s20;
	[sflag:s22] =	ssyncset.done $0x0  }
0xa6: {  	[sflag:s22] =	ssyncadd.s32 s4;
	_ =	sdelay $0x1  }
0xa7: {  	s23 =	simm.s32 $0x1B8B  }
0xa8: {  	_ =	swait.ge [sflag:s23], $0x1  }
0xa9: {  	[sflag:s23] =	ssyncset.done $0x0  }
0xaa: {  	s25 =	simm.s32 $0x1B8E;
	s24 =	sld [smem:$0x3FFE];
	[sflag:s23] =	ssyncadd.s32 $0xFFFFFFFF  }
0xab: {  	s26 =	simm.s32 $execute0_lowered;
	[smem:$0x3FD2] =	sst s25  }
0xac: {  	s5 =	sshll.u32 s26, $0x1;
	_ =	strace $0x80000046;
	[dreg:$0x1] =	wrdreg $0xFFFFFFFF  }
0xad: {  	s28 =	simm.s32 $_size_execute0_lowered;
	s3 =	sadd.s32 s3, s5;
	[dreg:$0x0] =	wrdreg $0x0  }
0xae: {  	s5 =	sshll.u32 s28, $0x1;
	[dreg:$0x2] =	wrdreg s3  }
0xaf: {  	[dreg:$0x3] =	wrdreg s5  }
0xb0: {  	[dreg:$0x4] =	wrdreg $0xC0  }
0xb1: {  	_ =	task [dreg:s7], $0x5FFFF  }
0xb2: {  	[dreg:$0x1] =	wrdreg $0xFFFFFFFF  }
0xb3: {  	[dreg:$0x0] =	wrdreg $0x60  }
0xb4: {  	[dreg:$0x2] =	wrdreg s16  }
0xb5: {  	[dreg:$0x3] =	wrdreg s24  }
0xb6: {  	[dreg:$0x4] =	wrdreg $0x9  }
0xb7: {  	_ =	task.clear_ibuf [dreg:s7], $0x5FFFF;
	_ =	strace $0x90000046  }
0xb8: {  	s29 =	simm.s32 $0x9;
	_ =	strace $0x80000048  }
0xb9: {  	_ =	swait.ge [sflag:s29], $0x1  }
0xba: {  	[sflag:s29] =	ssyncadd.s32 $0xFFFFFFFF  }
0xbb: {  	_ =	strace $0x90000048  }
0xbc: {  	_ =	sfence  }
0xbd: {  	s30 =	sld [smem:$0x0];
	_ =	sdelay $0x2  }
0xbe: {  	s31 =	sshll.u32 s1, $0xD;
	s1 =	sshrl.u32 s1, $0x2  }
0xbf: {  	s3 =	sand.u32 $0x4000, s31;
	s1 =	sadd.s32 s1, s30  }
0xc0: {  	s0 =	sor.u32 s3, s0;
	s1 =	sshll.u32 s1, $0x11  }
0xc1: {  	s0 =	sor.u32 s1, s0  }
0xc2: {  	s0 =	sadd.s32 $0x8F2B, s0  }
0xc3: {  	[sflag:s0] =	ssyncadd.remote.s32 $0x1  }
0xc4: {  	_ =	sfence.sel $0xFFFF  }
0xc5: {  	[dreg:$0x0] =	wrdreg $0xFFFFFFFF;
	(pc) =	sbr.abs _section_cstart, $3  }
0xc6: {  	[dreg:$0x1] =	wrdreg $0xFFFFFFFF  }
0xc7: {  	_ =	task.clear_ibuf [dreg:s7], $0x2FFFF;
	_ =	strace $0x9FFFFFFF  }
0xc8: {  	(tm) =	ssettm $0x7FFFFFFF  }
0xc9: {  	_ =	shalt  }
tec
execute0_lowered:
.L_overlay_start_1:
0x0: {  	(tag) =	ssettag $0x1  }
0x1: {  	s1 =	srdreg.scid;
	s0 =	stileid.u32  }
0x2: {  	s2 =	rddreg [dreg:$0x0];
	s6 =	sand.u32 $0x1, s1;
	s30 =	sshll.u32 s0, $0x1  }
0x3: {  	s8 =	rddreg [dreg:$0x1];
	s7 =	sor.u32 s6, s30  }
0x4: {  	s3 =	simm.s32 $0x0;
	s1 =	rddreg [dreg:$0x2];
	s4 =	smul.u32 $0x190, s7  }
0x5: {  	[smem:$0x7FF] =	sst s3  }
0x6: {  	_ =	strace $0x80000047;
	s10 =	ssub.s32 $0x2, s6;
	s4 =	sadd.s32 s4, s8  }
0x7: {  	s6 =	simm.s32 $0xC80;
	s5 =	sadd.s32 $0x800, s4;
	s4 =	simm.s32 $0x2  }
0x8: {  	[tilespmem:s3], [sflag:$0x2] =	stream.linear.gather [hbm4b:s5+s3], $0xC80, $0x38;
	[tilespmem:$0xD480] =	vst v63  }
0x9: {  	s9 =	smul.u32 $0x1900, s7;
	s11 =	sshrl.u32 s10, $0x1;
	_ =	swait.ge [sflag:s4], $0xC80  }
0xa: {  	s7 =	simm.s32 $0x1;
	s31 =	ssub.s32 s10, s11;
	[sflag:s4] =	ssyncset.done $0x0  }
0xb: {  	s8 =	sadd.s32 s9, s8;
	s9 =	smax.u32 s31, $0x1;
	[sflag:s4] =	ssyncadd.s32 $0xFFFFF380  }
0xc: {  	[tilespmem:s6], [sflag:$0x1] =	stream.indirect.gather [hbm4b:s2+s6], $0x10, s3, s6, $0xb8;
	[tilespmem:$0xD480] =	vst v63  }
0xd: {  	p0 =	sne.s32 s9, $0x1;
	_ =	swait.ge [sflag:s7], $0xC800  }
.Ltmp0:
0xe: {  	[sflag:s7] =	ssyncset.done $0x0;
	(pc) =	sbr.rel @!p0 .LBB2_2-.Ltmp0, $4  }
0xf: {  	s8 =	sadd.s32 $0x3A00, s8;
	[sflag:s7] =	ssyncadd.s32 $0xFFFF3800  }
0x10: {  	[hbm4b:s8+s3] =	stream.linear.scatter [tilespmem:s6], [sflag:$0x2], $0xC800, $0x38;
	[tilespmem:$0xD480] =	vst v63  }
0x11: {  	_ =	swait.ge [sflag:s4], $0xC800  }
0x12: {  	s9 =	sadd.s32 $0xFFFFFFFF, s9;
	[sflag:s4] =	ssyncset.done $0x0  }
.LBB2_1:
0x13: {  	p0 =	sne.s32 s9, $0x1;
	s9 =	sadd.s32 $0xFFFFFFFF, s9;
	[sflag:s4] =	ssyncadd.s32 $0xFFFF3800  }
0x14: {  	[tilespmem:s3], [sflag:$0x2] =	stream.linear.gather [hbm4b:s5+s3], $0xC80, $0x38;
	[tilespmem:$0xD480] =	vst v63  }
0x15: {  	_ =	swait.ge [sflag:s4], $0xC80  }
0x16: {  	[sflag:s4] =	ssyncset.done $0x0  }
0x17: {  	[sflag:s4] =	ssyncadd.s32 $0xFFFFF380  }
0x18: {  	[tilespmem:s6], [sflag:$0x1] =	stream.indirect.gather [hbm4b:s2+s6], $0x10, s3, s6, $0xb8;
	[tilespmem:$0xD480] =	vst v63  }
0x19: {  	_ =	swait.ge [sflag:s7], $0xC800  }
.Ltmp1:
0x1a: {  	[sflag:s7] =	ssyncset.done $0x0;
	(pc) =	sbr.rel @p0 .LBB2_1-.Ltmp1, $4  }
0x1b: {  	[sflag:s7] =	ssyncadd.s32 $0xFFFF3800  }
0x1c: {  	[hbm4b:s8+s3] =	stream.linear.scatter [tilespmem:s6], [sflag:$0x2], $0xC800, $0x38;
	[tilespmem:$0xD480] =	vst v63  }
0x1d: {  	_ =	swait.ge [sflag:s4], $0xC800  }
0x1e: {  	[sflag:s4] =	ssyncset.done $0x0  }
.LBB2_2:
0x1f: {  	[sflag:s4] =	ssyncadd.s32 $0xFFFF3800  }
0x20: {  	_ =	sfence.sel $0x180000  }
0x21: {  	[bflag:$0x0] =	sbarrier.arrive $0xFFFF  }
0x22: {  	p0 =	sne.s32 s0, $0x0;
	_ =	strace $0x90000047  }
0x23: {  	s0 =	sadd.s32 @!p0 $0x100000, s1;
	[bflag:$0x2] =	sbarrier.arrive $0xFFFF  }
0x24: {  	[sflag:s0] =	ssyncadd.tile.s32 @!p0 $0x1;
	_ =	shalt  }
.Lfunc_end2:
_tile_overlayer_lowered:
.L_overlay_start_2:
0x25: {  	(tag) =	ssettag $0x2  }
0x26: {  	s0 =	rddreg [dreg:$0x0];
	s2 =	stileid.u32  }
0x27: {  	s1 =	rddreg [dreg:$0x1];
	p0 =	sne.s32 s2, $0x0  }
0x28: {  	s3 =	rddreg [dreg:$0x2];
	[bflag:$0x3] =	sbarrier.arrive $0xFFFF;
	s2 =	simm.s32 @!p0 $0x1C02  }
0x29: {  	[timem:s3], [sflag:s2] =	dma.local @!p0 [hbm:s0], s1  }
0x2a: {  	s0 =	simm.s32 @!p0 $0x2  }
0x2b: {  	_ =	swait.ge @!p0 [sflag:s0], s1  }
0x2c: {  	s1 =	ssub.s32 @!p0 $0x0, s1;
	[sflag:s0] =	ssyncset.done @!p0 $0x0  }
0x2d: {  	[sflag:s0] =	ssyncadd.s32 @!p0 s1  }
0x2e: {  	[bflag:$0x3] =	sbarrier.arrive $0xFFFF  }
0x2f: {  	_ =	shalt  }

</sc_bundles>
